<compile_context>
chip_gen: v7x
topology: tpu7x:2x2x1
jax: 0.10.2.dev20260603
libtpu: 0.0.44.dev20260713+nightly
codegen_flags: <defaults>
</compile_context>

<pallas_src>
import jax
import jax.numpy as jnp
from jax import lax
from jax.experimental import pallas as pl
from jax.experimental.pallas import tpu as pltpu
from jax.experimental.pallas import tpu_sc as plsc

B = 16384
DIM = 32
NC, NS = 2, 16
NW = NC * NS
BPW = B // NW


def _gather_body(uid_hbm, iid_hbm, ut_hbm, it_hbm, ou_hbm, oi_hbm,
                 idx_u, idx_i, rows_u, rows_i, sem_u, sem_i):
  wid = lax.axis_index("c") * NS + lax.axis_index("s")
  base = wid * BPW
  pltpu.sync_copy(uid_hbm.at[pl.ds(base, BPW)], idx_u)
  pltpu.sync_copy(iid_hbm.at[pl.ds(base, BPW)], idx_i)
  cu = pltpu.async_copy(ut_hbm.at[idx_u], rows_u, sem_u)
  ci = pltpu.async_copy(it_hbm.at[idx_i], rows_i, sem_i)
  cu.wait()
  pltpu.sync_copy(rows_u, ou_hbm.at[pl.ds(base, BPW)])
  ci.wait()
  pltpu.sync_copy(rows_i, oi_hbm.at[pl.ds(base, BPW)])


def _gather(user_id, item_id, ut, it):
  mesh = plsc.VectorSubcoreMesh(core_axis_name="c", subcore_axis_name="s",
                                num_cores=NC, num_subcores=NS)
  k = pl.kernel(
      _gather_body,
      out_type=[jax.ShapeDtypeStruct((B, DIM), jnp.float32),
                jax.ShapeDtypeStruct((B, DIM), jnp.float32)],
      mesh=mesh,
      scratch_types=[
          pltpu.VMEM((BPW,), jnp.int32),
          pltpu.VMEM((BPW,), jnp.int32),
          pltpu.VMEM((BPW, DIM), jnp.float32),
          pltpu.VMEM((BPW, DIM), jnp.float32),
          pltpu.SemaphoreType.DMA,
          pltpu.SemaphoreType.DMA,
      ],
      name="ncf_sc_gather",
      compiler_params=pltpu.CompilerParams(use_tc_tiling_on_sc=False),
  )
  return k(user_id, item_id, ut, it)


_SMALL_SIZES = (50, 20, 100, 2)


def _demo_body(gid, lid, aid, gnd,
               genre_t, lang_t, age_t, gender_t,
               w1g, w1l, w1a, w1n, b1, out):
  bm = gid.shape[0]
  acc = jnp.broadcast_to(b1[...], (bm, 64))
  ids = (gid, lid, aid, gnd)
  tabs = (genre_t, lang_t, age_t, gender_t)
  ws = (w1g, w1l, w1a, w1n)
  for t in range(4):
    ncat = _SMALL_SIZES[t]
    proj = jnp.dot(tabs[t][...], ws[t][...],
                   preferred_element_type=jnp.float32)
    cats = jax.lax.broadcasted_iota(jnp.int32, (bm, ncat), 1)
    onehot = (ids[t][...] == cats).astype(jnp.float32)
    acc = acc + jnp.dot(onehot, proj, preferred_element_type=jnp.float32)
  out[...] = acc


def _demo(gid, lid, aid, gnd, genre_emb, lang_emb, age_emb, gender_emb,
          w1ts, b1):
  bm = 2048
  grid = (B // bm,)
  id_spec = pl.BlockSpec((bm, 1), lambda i: (i, 0))
  full = lambda shape: pl.BlockSpec(shape, lambda i: (0, 0))
  in_specs = ([id_spec] * 4
              + [full((n, DIM)) for n in _SMALL_SIZES]
              + [full((DIM, 64))] * 4 + [full((1, 64))])
  return pl.pallas_call(
      _demo_body,
      grid=grid,
      in_specs=in_specs,
      out_specs=pl.BlockSpec((bm, 64), lambda i: (i, 0)),
      out_shape=jax.ShapeDtypeStruct((B, 64), jnp.float32),
  )(gid.reshape(B, 1), lid.reshape(B, 1), aid.reshape(B, 1),
    gnd.reshape(B, 1), genre_emb, lang_emb, age_emb, gender_emb,
    *w1ts[2:], b1)


def _mlp_body(xu, xi, acc0, w1u, w1i, w2t, b2, w3t, b3, out):
  acc = acc0[...]
  acc = acc + jnp.dot(xu[...], w1u[...], preferred_element_type=jnp.float32)
  acc = acc + jnp.dot(xi[...], w1i[...], preferred_element_type=jnp.float32)
  h1 = jnp.maximum(acc, 0.0)
  h2 = jnp.maximum(jnp.dot(h1, w2t[...], preferred_element_type=jnp.float32)
                   + b2[...], 0.0)
  z = jnp.dot(h2, w3t[...], preferred_element_type=jnp.float32) + b3[...]
  out[...] = 1.0 / (1.0 + jnp.exp(-z))


def _mlp(xu, xi, acc0, w1ts, w2t, b2, w3t, b3):
  bm = 2048
  grid = (B // bm,)
  x_spec = pl.BlockSpec((bm, DIM), lambda i: (i, 0))
  full = lambda shape: pl.BlockSpec(shape, lambda i: (0, 0))
  in_specs = [x_spec, x_spec, pl.BlockSpec((bm, 64), lambda i: (i, 0)),
              full((DIM, 64)), full((DIM, 64)),
              full((64, 32)), full((1, 32)), full((32, 1)), full((1, 1))]
  return pl.pallas_call(
      _mlp_body,
      grid=grid,
      in_specs=in_specs,
      out_specs=pl.BlockSpec((bm, 1), lambda i: (i, 0)),
      out_shape=jax.ShapeDtypeStruct((B, 1), jnp.float32),
  )(xu, xi, acc0, w1ts[0], w1ts[1], w2t, b2, w3t, b3)


def kernel(user_id, item_id, genre_id, language_id, age, gender,
           user_emb, item_emb, genre_emb, lang_emb, age_emb, gender_emb,
           W1, b1, W2, b2, W3, b3):
  xu, xi = _gather(user_id.astype(jnp.int32), item_id.astype(jnp.int32),
                   user_emb, item_emb)

  w1t = W1.T
  w1ts = [w1t[DIM * t:DIM * (t + 1)] for t in range(6)]
  acc0 = _demo(genre_id.astype(jnp.int32), language_id.astype(jnp.int32),
               age.astype(jnp.int32), gender.astype(jnp.int32),
               genre_emb, lang_emb, age_emb, gender_emb,
               w1ts, b1.reshape(1, 64))
  return _mlp(xu, xi, acc0, w1ts, W2.T, b2.reshape(1, 32),
              W3.T, b3.reshape(1, 1))

# --- scband reference (transcript-rebuilt; emitter-appended) ---
"""Pipeline reference for scband-ncfwith-demographics-45569603011205 (READ-ONLY COPY).

The authoritative reference and input builder live on the scoring server;
editing this copy changes nothing except your own understanding.
"""

import jax, jax.numpy as jnp
import numpy as np

N_USERS = 1000000
N_ITEMS = 1000000
N_FACTORS = 32
N_GENRES = 50
N_LANGUAGES = 20
BATCH = 16384


def setup_inputs(seed: int = 0) -> dict:
    key = jax.random.key(seed)
    ks = jax.random.split(key, 20)
    inp = {}
    inp['user_id'] = jax.random.randint(ks[0], (BATCH,), 0, N_USERS, dtype=jnp.int64 if jax.config.jax_enable_x64 else jnp.int32)
    inp['item_id'] = jax.random.randint(ks[1], (BATCH,), 0, N_ITEMS, dtype=jnp.int32)
    inp['genre_id'] = jax.random.randint(ks[2], (BATCH,), 0, N_GENRES, dtype=jnp.int32)
    inp['language_id'] = jax.random.randint(ks[3], (BATCH,), 0, N_LANGUAGES, dtype=jnp.int32)
    inp['age'] = jax.random.randint(ks[4], (BATCH,), 0, 100, dtype=jnp.int32)
    inp['gender'] = jax.random.randint(ks[5], (BATCH,), 0, 2, dtype=jnp.int32)
    # learned parameters
    inp['user_emb'] = jax.random.normal(ks[6], (N_USERS, N_FACTORS), dtype=jnp.float32)
    inp['item_emb'] = jax.random.normal(ks[7], (N_ITEMS, N_FACTORS), dtype=jnp.float32)
    inp['genre_emb'] = jax.random.normal(ks[8], (N_GENRES, N_FACTORS), dtype=jnp.float32)
    inp['lang_emb'] = jax.random.normal(ks[9], (N_LANGUAGES, N_FACTORS), dtype=jnp.float32)
    inp['age_emb'] = jax.random.normal(ks[10], (100, N_FACTORS), dtype=jnp.float32)
    inp['gender_emb'] = jax.random.normal(ks[11], (2, N_FACTORS), dtype=jnp.float32)
    d_in = N_FACTORS * 6
    inp['W1'] = jax.random.normal(ks[12], (64, d_in), dtype=jnp.float32) * (1.0 / np.sqrt(d_in))
    inp['b1'] = jnp.zeros((64,), dtype=jnp.float32)
    inp['W2'] = jax.random.normal(ks[13], (32, 64), dtype=jnp.float32) * (1.0 / np.sqrt(64))
    inp['b2'] = jnp.zeros((32,), dtype=jnp.float32)
    inp['W3'] = jax.random.normal(ks[14], (1, 32), dtype=jnp.float32) * (1.0 / np.sqrt(32))
    inp['b3'] = jnp.zeros((1,), dtype=jnp.float32)
    return inp


def reference(user_id, item_id, genre_id, language_id, age, gender,
              user_emb, item_emb, genre_emb, lang_emb, age_emb, gender_emb,
              W1, b1, W2, b2, W3, b3):
    user_vec = jnp.take(user_emb, user_id, axis=0)
    item_vec = jnp.take(item_emb, item_id, axis=0)
    genre_vec = jnp.take(genre_emb, genre_id, axis=0)
    language_vec = jnp.take(lang_emb, language_id, axis=0)
    age_vec = jnp.take(age_emb, age, axis=0)
    gender_vec = jnp.take(gender_emb, gender, axis=0)
    x = jnp.concatenate([user_vec, item_vec, genre_vec, language_vec, age_vec, gender_vec], axis=1)
    x = jax.nn.relu(x @ W1.T + b1)
    x = jax.nn.relu(x @ W2.T + b2)
    return jax.nn.sigmoid(x @ W3.T + b3)

if __name__ == "__main__":
    import jax
    _d = setup_inputs()
    print(jax.jit(kernel)(*tuple(_d.values())))

</pallas_src>

<mosaic_0001>
#map = affine_map<(d0, d1) -> (0)>
#map1 = affine_map<(d0, d1) -> (0, 0)>
module attributes {stable_mosaic.version = 14 : i64} {
  func.func @ncf_sc_gather(%arg0: i32, %arg1: i32, %arg2: memref<16384xi32, #tpu.memory_space<hbm>>, %arg3: memref<16384xi32, #tpu.memory_space<hbm>>, %arg4: memref<1000000x32xf32, #tpu.memory_space<hbm>>, %arg5: memref<1000000x32xf32, #tpu.memory_space<hbm>>, %arg6: memref<16384x32xf32, #tpu.memory_space<hbm>>, %arg7: memref<16384x32xf32, #tpu.memory_space<hbm>>, %arg8: memref<512xi32, #tpu.memory_space<vmem>>, %arg9: memref<512xi32, #tpu.memory_space<vmem>>, %arg10: memref<512x32xf32, #tpu.memory_space<vmem>>, %arg11: memref<512x32xf32, #tpu.memory_space<vmem>>, %arg12: memref<!tpu.dma_semaphore, #tpu.memory_space<semaphore_mem>>, %arg13: memref<!tpu.dma_semaphore, #tpu.memory_space<semaphore_mem>>) attributes {dimension_semantics = [#tpu.dimension_semantics<core_parallel>, #tpu.dimension_semantics<subcore_parallel>], iteration_bounds = array<i64: 2, 16>, scalar_prefetch = 0 : i64, scratch_operands = 6 : i64, tpu.core_type = #tpu.core_type<sc_vector_subcore>, window_params = [{transform_indices = #map}, {transform_indices = #map}, {transform_indices = #map1}, {transform_indices = #map1}, {transform_indices = #map1}, {transform_indices = #map1}]} {
    %mul3A = arith.constant 16 : i32
    %mul3A_0 = arith.muli %arg0, %mul3A : i32
    %add3A = arith.addi %mul3A_0, %arg1 : i32
    %mul3A_1 = arith.constant 512 : i32
    %mul3A_2 = arith.muli %add3A, %mul3A_1 : i32
    "tpu.region"() ({
      %run_scoped3A = tpu.sem_alloc : memref<!tpu.dma_semaphore, #tpu.memory_space<semaphore_mem>>
      %dma_start3A_13 = tpu.memref_slice %arg2[%mul3A_2] : memref<16384xi32, #tpu.memory_space<hbm>> -> memref<512xi32, #tpu.memory_space<hbm>>
      %dma_start3A_14 = tpu.memref_slice %arg2[%mul3A_2] : memref<16384xi32, #tpu.memory_space<hbm>> -> memref<512xi32, #tpu.memory_space<hbm>>
      tpu.enqueue_dma source(%dma_start3A_14 : memref<512xi32, #tpu.memory_space<hbm>>) target(%arg8 : memref<512xi32, #tpu.memory_space<vmem>>) target_semaphore(%run_scoped3A : memref<!tpu.dma_semaphore, #tpu.memory_space<semaphore_mem>>)
      %dma_wait3A_15 = tpu.memref_slice %arg2[%mul3A_2] : memref<16384xi32, #tpu.memory_space<hbm>> -> memref<512xi32, #tpu.memory_space<hbm>>
      %dma_wait3A_16 = tpu.memref_slice %arg2[%mul3A_2] : memref<16384xi32, #tpu.memory_space<hbm>> -> memref<512xi32, #tpu.memory_space<hbm>>
      tpu.wait_dma2 semaphore(%run_scoped3A : memref<!tpu.dma_semaphore, #tpu.memory_space<semaphore_mem>>) src(%dma_wait3A_16 : memref<512xi32, #tpu.memory_space<hbm>>) dst(%arg8 : memref<512xi32, #tpu.memory_space<vmem>>)
      tpu.yield
    }) : () -> ()
    "tpu.region"() ({
      %run_scoped3A = tpu.sem_alloc : memref<!tpu.dma_semaphore, #tpu.memory_space<semaphore_mem>>
      %dma_start3A_13 = tpu.memref_slice %arg3[%mul3A_2] : memref<16384xi32, #tpu.memory_space<hbm>> -> memref<512xi32, #tpu.memory_space<hbm>>
      %dma_start3A_14 = tpu.memref_slice %arg3[%mul3A_2] : memref<16384xi32, #tpu.memory_space<hbm>> -> memref<512xi32, #tpu.memory_space<hbm>>
      tpu.enqueue_dma source(%dma_start3A_14 : memref<512xi32, #tpu.memory_space<hbm>>) target(%arg9 : memref<512xi32, #tpu.memory_space<vmem>>) target_semaphore(%run_scoped3A : memref<!tpu.dma_semaphore, #tpu.memory_space<semaphore_mem>>)
      %dma_wait3A_15 = tpu.memref_slice %arg3[%mul3A_2] : memref<16384xi32, #tpu.memory_space<hbm>> -> memref<512xi32, #tpu.memory_space<hbm>>
      %dma_wait3A_16 = tpu.memref_slice %arg3[%mul3A_2] : memref<16384xi32, #tpu.memory_space<hbm>> -> memref<512xi32, #tpu.memory_space<hbm>>
      tpu.wait_dma2 semaphore(%run_scoped3A : memref<!tpu.dma_semaphore, #tpu.memory_space<semaphore_mem>>) src(%dma_wait3A_16 : memref<512xi32, #tpu.memory_space<hbm>>) dst(%arg9 : memref<512xi32, #tpu.memory_space<vmem>>)
      tpu.yield
    }) : () -> ()
    %dma_start3A = arith.constant 0 : i32
    %dma_start3A_3 = arith.constant 0 : i32
    %dma_start3A_4 = tpu.memref_slice %arg4[%dma_start3A, %dma_start3A_3] : memref<1000000x32xf32, #tpu.memory_space<hbm>> -> memref<1000000x32xf32, #tpu.memory_space<hbm>>
    tpu.enqueue_indirect_dma source(%dma_start3A_4 : memref<1000000x32xf32, #tpu.memory_space<hbm>>) target(%arg10 : memref<512x32xf32, #tpu.memory_space<vmem>>) offsets(%arg8 : memref<512xi32, #tpu.memory_space<vmem>>) semaphore(%arg12 : memref<!tpu.dma_semaphore, #tpu.memory_space<semaphore_mem>>)
    %dma_start3A_5 = arith.constant 0 : i32
    %dma_start3A_6 = arith.constant 0 : i32
    %dma_start3A_7 = tpu.memref_slice %arg5[%dma_start3A_5, %dma_start3A_6] : memref<1000000x32xf32, #tpu.memory_space<hbm>> -> memref<1000000x32xf32, #tpu.memory_space<hbm>>
    tpu.enqueue_indirect_dma source(%dma_start3A_7 : memref<1000000x32xf32, #tpu.memory_space<hbm>>) target(%arg11 : memref<512x32xf32, #tpu.memory_space<vmem>>) offsets(%arg9 : memref<512xi32, #tpu.memory_space<vmem>>) semaphore(%arg13 : memref<!tpu.dma_semaphore, #tpu.memory_space<semaphore_mem>>)
    %dma_wait3A = arith.constant 0 : i32
    %dma_wait3A_8 = arith.constant 0 : i32
    %dma_wait3A_9 = tpu.memref_slice %arg4[%dma_wait3A, %dma_wait3A_8] : memref<1000000x32xf32, #tpu.memory_space<hbm>> -> memref<1000000x32xf32, #tpu.memory_space<hbm>>
    tpu.wait_indirect_dma semaphore(%arg12 : memref<!tpu.dma_semaphore, #tpu.memory_space<semaphore_mem>>) src(%dma_wait3A_9 : memref<1000000x32xf32, #tpu.memory_space<hbm>>) dst(%arg10 : memref<512x32xf32, #tpu.memory_space<vmem>>)
    "tpu.region"() ({
      %run_scoped3A = tpu.sem_alloc : memref<!tpu.dma_semaphore, #tpu.memory_space<semaphore_mem>>
      %dma_start3A_13 = arith.constant 0 : i32
      %dma_start3A_14 = tpu.memref_slice %arg6[%mul3A_2, %dma_start3A_13] : memref<16384x32xf32, #tpu.memory_space<hbm>> -> memref<512x32xf32, #tpu.memory_space<hbm>>
      %dma_start3A_15 = arith.constant 0 : i32
      %dma_start3A_16 = tpu.memref_slice %arg6[%mul3A_2, %dma_start3A_15] : memref<16384x32xf32, #tpu.memory_space<hbm>> -> memref<512x32xf32, #tpu.memory_space<hbm>>
      tpu.enqueue_dma source(%arg10 : memref<512x32xf32, #tpu.memory_space<vmem>>) target(%dma_start3A_16 : memref<512x32xf32, #tpu.memory_space<hbm>>) target_semaphore(%run_scoped3A : memref<!tpu.dma_semaphore, #tpu.memory_space<semaphore_mem>>)
      %dma_wait3A_17 = arith.constant 0 : i32
      %dma_wait3A_18 = tpu.memref_slice %arg6[%mul3A_2, %dma_wait3A_17] : memref<16384x32xf32, #tpu.memory_space<hbm>> -> memref<512x32xf32, #tpu.memory_space<hbm>>
      %dma_wait3A_19 = arith.constant 0 : i32
      %dma_wait3A_20 = tpu.memref_slice %arg6[%mul3A_2, %dma_wait3A_19] : memref<16384x32xf32, #tpu.memory_space<hbm>> -> memref<512x32xf32, #tpu.memory_space<hbm>>
      tpu.wait_dma2 semaphore(%run_scoped3A : memref<!tpu.dma_semaphore, #tpu.memory_space<semaphore_mem>>) src(%arg10 : memref<512x32xf32, #tpu.memory_space<vmem>>) dst(%dma_wait3A_20 : memref<512x32xf32, #tpu.memory_space<hbm>>)
      tpu.yield
    }) : () -> ()
    %dma_wait3A_10 = arith.constant 0 : i32
    %dma_wait3A_11 = arith.constant 0 : i32
    %dma_wait3A_12 = tpu.memref_slice %arg5[%dma_wait3A_10, %dma_wait3A_11] : memref<1000000x32xf32, #tpu.memory_space<hbm>> -> memref<1000000x32xf32, #tpu.memory_space<hbm>>
    tpu.wait_indirect_dma semaphore(%arg13 : memref<!tpu.dma_semaphore, #tpu.memory_space<semaphore_mem>>) src(%dma_wait3A_12 : memref<1000000x32xf32, #tpu.memory_space<hbm>>) dst(%arg11 : memref<512x32xf32, #tpu.memory_space<vmem>>)
    "tpu.region"() ({
      %run_scoped3A = tpu.sem_alloc : memref<!tpu.dma_semaphore, #tpu.memory_space<semaphore_mem>>
      %dma_start3A_13 = arith.constant 0 : i32
      %dma_start3A_14 = tpu.memref_slice %arg7[%mul3A_2, %dma_start3A_13] : memref<16384x32xf32, #tpu.memory_space<hbm>> -> memref<512x32xf32, #tpu.memory_space<hbm>>
      %dma_start3A_15 = arith.constant 0 : i32
      %dma_start3A_16 = tpu.memref_slice %arg7[%mul3A_2, %dma_start3A_15] : memref<16384x32xf32, #tpu.memory_space<hbm>> -> memref<512x32xf32, #tpu.memory_space<hbm>>
      tpu.enqueue_dma source(%arg11 : memref<512x32xf32, #tpu.memory_space<vmem>>) target(%dma_start3A_16 : memref<512x32xf32, #tpu.memory_space<hbm>>) target_semaphore(%run_scoped3A : memref<!tpu.dma_semaphore, #tpu.memory_space<semaphore_mem>>)
      %dma_wait3A_17 = arith.constant 0 : i32
      %dma_wait3A_18 = tpu.memref_slice %arg7[%mul3A_2, %dma_wait3A_17] : memref<16384x32xf32, #tpu.memory_space<hbm>> -> memref<512x32xf32, #tpu.memory_space<hbm>>
      %dma_wait3A_19 = arith.constant 0 : i32
      %dma_wait3A_20 = tpu.memref_slice %arg7[%mul3A_2, %dma_wait3A_19] : memref<16384x32xf32, #tpu.memory_space<hbm>> -> memref<512x32xf32, #tpu.memory_space<hbm>>
      tpu.wait_dma2 semaphore(%run_scoped3A : memref<!tpu.dma_semaphore, #tpu.memory_space<semaphore_mem>>) src(%arg11 : memref<512x32xf32, #tpu.memory_space<vmem>>) dst(%dma_wait3A_20 : memref<512x32xf32, #tpu.memory_space<hbm>>)
      tpu.yield
    }) : () -> ()
    return
  }
}

module attributes {stable_mosaic.version = 14 : i64} {
  func.func @_demo_body(%arg0: i32, %arg1: memref<2048x1xi32, #tpu.memory_space<vmem>>, %arg2: memref<2048x1xi32, #tpu.memory_space<vmem>>, %arg3: memref<2048x1xi32, #tpu.memory_space<vmem>>, %arg4: memref<2048x1xi32, #tpu.memory_space<vmem>>, %arg5: memref<50x32xf32, #tpu.memory_space<vmem>>, %arg6: memref<20x32xf32, #tpu.memory_space<vmem>>, %arg7: memref<100x32xf32, #tpu.memory_space<vmem>>, %arg8: memref<2x32xf32, #tpu.memory_space<vmem>>, %arg9: memref<32x64xf32, #tpu.memory_space<vmem>>, %arg10: memref<32x64xf32, #tpu.memory_space<vmem>>, %arg11: memref<32x64xf32, #tpu.memory_space<vmem>>, %arg12: memref<32x64xf32, #tpu.memory_space<vmem>>, %arg13: memref<1x64xf32, #tpu.memory_space<vmem>>, %arg14: memref<2048x64xf32, #tpu.memory_space<vmem>>) attributes {dimension_semantics = [#tpu.dimension_semantics<arbitrary>], iteration_bounds = array<i64: 8>, scalar_prefetch = 0 : i64, scratch_operands = 0 : i64, tpu.core_type = #tpu.core_type<tc>, window_params = [{transform_indices = @transform_0, window_bounds = array<i64: 2048, 1>}, {transform_indices = @transform_1, window_bounds = array<i64: 2048, 1>}, {transform_indices = @transform_2, window_bounds = array<i64: 2048, 1>}, {transform_indices = @transform_3, window_bounds = array<i64: 2048, 1>}, {pipeline_mode = #tpu.pipeline_mode<synchronous>, transform_indices = @transform_4, window_bounds = array<i64: 50, 32>}, {pipeline_mode = #tpu.pipeline_mode<synchronous>, transform_indices = @transform_5, window_bounds = array<i64: 20, 32>}, {pipeline_mode = #tpu.pipeline_mode<synchronous>, transform_indices = @transform_6, window_bounds = array<i64: 100, 32>}, {pipeline_mode = #tpu.pipeline_mode<synchronous>, transform_indices = @transform_7, window_bounds = array<i64: 2, 32>}, {pipeline_mode = #tpu.pipeline_mode<synchronous>, transform_indices = @transform_8, window_bounds = array<i64: 32, 64>}, {pipeline_mode = #tpu.pipeline_mode<synchronous>, transform_indices = @transform_9, window_bounds = array<i64: 32, 64>}, {pipeline_mode = #tpu.pipeline_mode<synchronous>, transform_indices = @transform_10, window_bounds = array<i64: 32, 64>}, {pipeline_mode = #tpu.pipeline_mode<synchronous>, transform_indices = @transform_11, window_bounds = array<i64: 32, 64>}, {pipeline_mode = #tpu.pipeline_mode<synchronous>, transform_indices = @transform_12, window_bounds = array<i64: 1, 64>}, {transform_indices = @transform_13, window_bounds = array<i64: 2048, 64>}]} {
    %get3A = arith.constant 0 : index
    %get3A_0 = arith.constant 0 : index
    %get3A_1 = vector.load %arg13[%get3A, %get3A_0] : memref<1x64xf32, #tpu.memory_space<vmem>>, vector<1x64xf32>
    %broadcast_in_dim3A = vector.shape_cast %get3A_1 : vector<1x64xf32> to vector<1x64xf32>
    %broadcast_in_dim3A_2 = vector.broadcast %broadcast_in_dim3A : vector<1x64xf32> to vector<2048x64xf32>
    %get3A_3 = arith.constant 0 : index
    %get3A_4 = arith.constant 0 : index
    %get3A_5 = vector.load %arg5[%get3A_3, %get3A_4] : memref<50x32xf32, #tpu.memory_space<vmem>>, vector<50x32xf32>
    %get3A_6 = arith.constant 0 : index
    %get3A_7 = arith.constant 0 : index
    %get3A_8 = vector.load %arg9[%get3A_6, %get3A_7] : memref<32x64xf32, #tpu.memory_space<vmem>>, vector<32x64xf32>
    %dot_general3A = arith.constant dense<0.000000e+00> : vector<50x64xf32>
    %dot_general3A_9 = tpu.matmul %get3A_5, %get3A_8, %dot_general3A {dimension_numbers = #tpu.dot_dimension_numbers<[1], [0], [0], [1], [0, 0, 1, 1], [], []>, transpose_lhs_hint = false} : vector<50x32xf32>, vector<32x64xf32>, vector<50x64xf32> -> vector<50x64xf32>
    %iota3A = tpu.iota {dimensions = array<i32: 1>} : vector<2048x50xi32>
    %get3A_10 = arith.constant 0 : index
    %get3A_11 = arith.constant 0 : index
    %get3A_12 = vector.load %arg1[%get3A_10, %get3A_11] : memref<2048x1xi32, #tpu.memory_space<vmem>>, vector<2048x1xi32>
    %eq3A = vector.broadcast %get3A_12 : vector<2048x1xi32> to vector<2048x50xi32>
    %eq3A_13 = arith.cmpi eq, %eq3A, %iota3A : vector<2048x50xi32>
    %convert_element_type3A = arith.extui %eq3A_13 : vector<2048x50xi1> to vector<2048x50xi32>
    %convert_element_type3A_14 = arith.sitofp %convert_element_type3A : vector<2048x50xi32> to vector<2048x50xf32>
    %dot_general3A_15 = arith.constant dense<0.000000e+00> : vector<2048x64xf32>
    %dot_general3A_16 = tpu.matmul %convert_element_type3A_14, %dot_general3A_9, %dot_general3A_15 {dimension_numbers = #tpu.dot_dimension_numbers<[1], [0], [0], [1], [0, 0, 1, 1], [], []>, transpose_lhs_hint = false} : vector<2048x50xf32>, vector<50x64xf32>, vector<2048x64xf32> -> vector<2048x64xf32>
    %add3A = arith.addf %broadcast_in_dim3A_2, %dot_general3A_16 : vector<2048x64xf32>
    %get3A_17 = arith.constant 0 : index
    %get3A_18 = arith.constant 0 : index
    %get3A_19 = vector.load %arg6[%get3A_17, %get3A_18] : memref<20x32xf32, #tpu.memory_space<vmem>>, vector<20x32xf32>
    %get3A_20 = arith.constant 0 : index
    %get3A_21 = arith.constant 0 : index
    %get3A_22 = vector.load %arg10[%get3A_20, %get3A_21] : memref<32x64xf32, #tpu.memory_space<vmem>>, vector<32x64xf32>
    %dot_general3A_23 = arith.constant dense<0.000000e+00> : vector<20x64xf32>
    %dot_general3A_24 = tpu.matmul %get3A_19, %get3A_22, %dot_general3A_23 {dimension_numbers = #tpu.dot_dimension_numbers<[1], [0], [0], [1], [0, 0, 1, 1], [], []>, transpose_lhs_hint = false} : vector<20x32xf32>, vector<32x64xf32>, vector<20x64xf32> -> vector<20x64xf32>
    %iota3A_25 = tpu.iota {dimensions = array<i32: 1>} : vector<2048x20xi32>
    %get3A_26 = arith.constant 0 : index
    %get3A_27 = arith.constant 0 : index
    %get3A_28 = vector.load %arg2[%get3A_26, %get3A_27] : memref<2048x1xi32, #tpu.memory_space<vmem>>, vector<2048x1xi32>
    %eq3A_29 = vector.broadcast %get3A_28 : vector<2048x1xi32> to vector<2048x20xi32>
    %eq3A_30 = arith.cmpi eq, %eq3A_29, %iota3A_25 : vector<2048x20xi32>
    %convert_element_type3A_31 = arith.extui %eq3A_30 : vector<2048x20xi1> to vector<2048x20xi32>
    %convert_element_type3A_32 = arith.sitofp %convert_element_type3A_31 : vector<2048x20xi32> to vector<2048x20xf32>
    %dot_general3A_33 = arith.constant dense<0.000000e+00> : vector<2048x64xf32>
    %dot_general3A_34 = tpu.matmul %convert_element_type3A_32, %dot_general3A_24, %dot_general3A_33 {dimension_numbers = #tpu.dot_dimension_numbers<[1], [0], [0], [1], [0, 0, 1, 1], [], []>, transpose_lhs_hint = false} : vector<2048x20xf32>, vector<20x64xf32>, vector<2048x64xf32> -> vector<2048x64xf32>
    %add3A_35 = arith.addf %add3A, %dot_general3A_34 : vector<2048x64xf32>
    %get3A_36 = arith.constant 0 : index
    %get3A_37 = arith.constant 0 : index
    %get3A_38 = vector.load %arg7[%get3A_36, %get3A_37] : memref<100x32xf32, #tpu.memory_space<vmem>>, vector<100x32xf32>
    %get3A_39 = arith.constant 0 : index
    %get3A_40 = arith.constant 0 : index
    %get3A_41 = vector.load %arg11[%get3A_39, %get3A_40] : memref<32x64xf32, #tpu.memory_space<vmem>>, vector<32x64xf32>
    %dot_general3A_42 = arith.constant dense<0.000000e+00> : vector<100x64xf32>
    %dot_general3A_43 = tpu.matmul %get3A_38, %get3A_41, %dot_general3A_42 {dimension_numbers = #tpu.dot_dimension_numbers<[1], [0], [0], [1], [0, 0, 1, 1], [], []>, transpose_lhs_hint = false} : vector<100x32xf32>, vector<32x64xf32>, vector<100x64xf32> -> vector<100x64xf32>
    %iota3A_44 = tpu.iota {dimensions = array<i32: 1>} : vector<2048x100xi32>
    %get3A_45 = arith.constant 0 : index
    %get3A_46 = arith.constant 0 : index
    %get3A_47 = vector.load %arg3[%get3A_45, %get3A_46] : memref<2048x1xi32, #tpu.memory_space<vmem>>, vector<2048x1xi32>
    %eq3A_48 = vector.broadcast %get3A_47 : vector<2048x1xi32> to vector<2048x100xi32>
    %eq3A_49 = arith.cmpi eq, %eq3A_48, %iota3A_44 : vector<2048x100xi32>
    %convert_element_type3A_50 = arith.extui %eq3A_49 : vector<2048x100xi1> to vector<2048x100xi32>
    %convert_element_type3A_51 = arith.sitofp %convert_element_type3A_50 : vector<2048x100xi32> to vector<2048x100xf32>
    %dot_general3A_52 = arith.constant dense<0.000000e+00> : vector<2048x64xf32>
    %dot_general3A_53 = tpu.matmul %convert_element_type3A_51, %dot_general3A_43, %dot_general3A_52 {dimension_numbers = #tpu.dot_dimension_numbers<[1], [0], [0], [1], [0, 0, 1, 1], [], []>, transpose_lhs_hint = false} : vector<2048x100xf32>, vector<100x64xf32>, vector<2048x64xf32> -> vector<2048x64xf32>
    %add3A_54 = arith.addf %add3A_35, %dot_general3A_53 : vector<2048x64xf32>
    %get3A_55 = arith.constant 0 : index
    %get3A_56 = arith.constant 0 : index
    %get3A_57 = vector.load %arg8[%get3A_55, %get3A_56] : memref<2x32xf32, #tpu.memory_space<vmem>>, vector<2x32xf32>
    %get3A_58 = arith.constant 0 : index
    %get3A_59 = arith.constant 0 : index
    %get3A_60 = vector.load %arg12[%get3A_58, %get3A_59] : memref<32x64xf32, #tpu.memory_space<vmem>>, vector<32x64xf32>
    %dot_general3A_61 = arith.constant dense<0.000000e+00> : vector<2x64xf32>
    %dot_general3A_62 = tpu.matmul %get3A_57, %get3A_60, %dot_general3A_61 {dimension_numbers = #tpu.dot_dimension_numbers<[1], [0], [0], [1], [0, 0, 1, 1], [], []>, transpose_lhs_hint = false} : vector<2x32xf32>, vector<32x64xf32>, vector<2x64xf32> -> vector<2x64xf32>
    %iota3A_63 = tpu.iota {dimensions = array<i32: 1>} : vector<2048x2xi32>
    %get3A_64 = arith.constant 0 : index
    %get3A_65 = arith.constant 0 : index
    %get3A_66 = vector.load %arg4[%get3A_64, %get3A_65] : memref<2048x1xi32, #tpu.memory_space<vmem>>, vector<2048x1xi32>
    %eq3A_67 = vector.broadcast %get3A_66 : vector<2048x1xi32> to vector<2048x2xi32>
    %eq3A_68 = arith.cmpi eq, %eq3A_67, %iota3A_63 : vector<2048x2xi32>
    %convert_element_type3A_69 = arith.extui %eq3A_68 : vector<2048x2xi1> to vector<2048x2xi32>
    %convert_element_type3A_70 = arith.sitofp %convert_element_type3A_69 : vector<2048x2xi32> to vector<2048x2xf32>
    %dot_general3A_71 = arith.constant dense<0.000000e+00> : vector<2048x64xf32>
    %dot_general3A_72 = tpu.matmul %convert_element_type3A_70, %dot_general3A_62, %dot_general3A_71 {dimension_numbers = #tpu.dot_dimension_numbers<[1], [0], [0], [1], [0, 0, 1, 1], [], []>, transpose_lhs_hint = false} : vector<2048x2xf32>, vector<2x64xf32>, vector<2048x64xf32> -> vector<2048x64xf32>
    %add3A_73 = arith.addf %add3A_54, %dot_general3A_72 : vector<2048x64xf32>
    %swap3A = arith.constant 0 : index
    %swap3A_74 = arith.constant 0 : index
    %swap3A_75 = vector.load %arg14[%swap3A, %swap3A_74] : memref<2048x64xf32, #tpu.memory_space<vmem>>, vector<2048x64xf32>
    tpu.vector_store %arg14[%swap3A, %swap3A_74], %add3A_73 {strides = array<i32>} : memref<2048x64xf32, #tpu.memory_space<vmem>>, vector<2048x64xf32>,
    return
  }
  func.func @transform_0(%arg0: i32) -> (i32, i32) {
    %c0_i32 = arith.constant 0 : i32
    %c0_i32_0 = arith.constant 0 : i32
    return %arg0, %c0_i32 : i32, i32
  }
  func.func @transform_1(%arg0: i32) -> (i32, i32) {
    %c0_i32 = arith.constant 0 : i32
    %c0_i32_0 = arith.constant 0 : i32
    return %arg0, %c0_i32 : i32, i32
  }
  func.func @transform_2(%arg0: i32) -> (i32, i32) {
    %c0_i32 = arith.constant 0 : i32
    %c0_i32_0 = arith.constant 0 : i32
    return %arg0, %c0_i32 : i32, i32
  }
  func.func @transform_3(%arg0: i32) -> (i32, i32) {
    %c0_i32 = arith.constant 0 : i32
    %c0_i32_0 = arith.constant 0 : i32
    return %arg0, %c0_i32 : i32, i32
  }
  func.func @transform_4(%arg0: i32) -> (i32, i32) {
    %c0_i32 = arith.constant 0 : i32
    %c0_i32_0 = arith.constant 0 : i32
    %c0_i32_1 = arith.constant 0 : i32
    return %c0_i32, %c0_i32_0 : i32, i32
  }
  func.func @transform_5(%arg0: i32) -> (i32, i32) {
    %c0_i32 = arith.constant 0 : i32
    %c0_i32_0 = arith.constant 0 : i32
    %c0_i32_1 = arith.constant 0 : i32
    return %c0_i32, %c0_i32_0 : i32, i32
  }
  func.func @transform_6(%arg0: i32) -> (i32, i32) {
    %c0_i32 = arith.constant 0 : i32
    %c0_i32_0 = arith.constant 0 : i32
    %c0_i32_1 = arith.constant 0 : i32
    return %c0_i32, %c0_i32_0 : i32, i32
  }
  func.func @transform_7(%arg0: i32) -> (i32, i32) {
    %c0_i32 = arith.constant 0 : i32
    %c0_i32_0 = arith.constant 0 : i32
    %c0_i32_1 = arith.constant 0 : i32
    return %c0_i32, %c0_i32_0 : i32, i32
  }
  func.func @transform_8(%arg0: i32) -> (i32, i32) {
    %c0_i32 = arith.constant 0 : i32
    %c0_i32_0 = arith.constant 0 : i32
    %c0_i32_1 = arith.constant 0 : i32
    return %c0_i32, %c0_i32_0 : i32, i32
  }
  func.func @transform_9(%arg0: i32) -> (i32, i32) {
    %c0_i32 = arith.constant 0 : i32
    %c0_i32_0 = arith.constant 0 : i32
    %c0_i32_1 = arith.constant 0 : i32
    return %c0_i32, %c0_i32_0 : i32, i32
  }
  func.func @transform_10(%arg0: i32) -> (i32, i32) {
    %c0_i32 = arith.constant 0 : i32
    %c0_i32_0 = arith.constant 0 : i32
    %c0_i32_1 = arith.constant 0 : i32
    return %c0_i32, %c0_i32_0 : i32, i32
  }
  func.func @transform_11(%arg0: i32) -> (i32, i32) {
    %c0_i32 = arith.constant 0 : i32
    %c0_i32_0 = arith.constant 0 : i32
    %c0_i32_1 = arith.constant 0 : i32
    return %c0_i32, %c0_i32_0 : i32, i32
  }
  func.func @transform_12(%arg0: i32) -> (i32, i32) {
    %c0_i32 = arith.constant 0 : i32
    %c0_i32_0 = arith.constant 0 : i32
    %c0_i32_1 = arith.constant 0 : i32
    return %c0_i32, %c0_i32_0 : i32, i32
  }
  func.func @transform_13(%arg0: i32) -> (i32, i32) {
    %c0_i32 = arith.constant 0 : i32
    %c0_i32_0 = arith.constant 0 : i32
    return %arg0, %c0_i32 : i32, i32
  }
}

module attributes {stable_mosaic.version = 14 : i64} {
  func.func @_mlp_body(%arg0: i32, %arg1: memref<2048x32xf32, #tpu.memory_space<vmem>>, %arg2: memref<2048x32xf32, #tpu.memory_space<vmem>>, %arg3: memref<2048x64xf32, #tpu.memory_space<vmem>>, %arg4: memref<32x64xf32, #tpu.memory_space<vmem>>, %arg5: memref<32x64xf32, #tpu.memory_space<vmem>>, %arg6: memref<64x32xf32, #tpu.memory_space<vmem>>, %arg7: memref<1x32xf32, #tpu.memory_space<vmem>>, %arg8: memref<32x1xf32, #tpu.memory_space<vmem>>, %arg9: memref<1x1xf32, #tpu.memory_space<vmem>>, %arg10: memref<2048x1xf32, #tpu.memory_space<vmem>>) attributes {dimension_semantics = [#tpu.dimension_semantics<arbitrary>], iteration_bounds = array<i64: 8>, scalar_prefetch = 0 : i64, scratch_operands = 0 : i64, tpu.core_type = #tpu.core_type<tc>, window_params = [{transform_indices = @transform_0, window_bounds = array<i64: 2048, 32>}, {transform_indices = @transform_1, window_bounds = array<i64: 2048, 32>}, {transform_indices = @transform_2, window_bounds = array<i64: 2048, 64>}, {pipeline_mode = #tpu.pipeline_mode<synchronous>, transform_indices = @transform_3, window_bounds = array<i64: 32, 64>}, {pipeline_mode = #tpu.pipeline_mode<synchronous>, transform_indices = @transform_4, window_bounds = array<i64: 32, 64>}, {pipeline_mode = #tpu.pipeline_mode<synchronous>, transform_indices = @transform_5, window_bounds = array<i64: 64, 32>}, {pipeline_mode = #tpu.pipeline_mode<synchronous>, transform_indices = @transform_6, window_bounds = array<i64: 1, 32>}, {pipeline_mode = #tpu.pipeline_mode<synchronous>, transform_indices = @transform_7, window_bounds = array<i64: 32, 1>}, {pipeline_mode = #tpu.pipeline_mode<synchronous>, transform_indices = @transform_8, window_bounds = array<i64: 1, 1>}, {transform_indices = @transform_9, window_bounds = array<i64: 2048, 1>}]} {
    %get3A = arith.constant 0 : index
    %get3A_0 = arith.constant 0 : index
    %get3A_1 = vector.load %arg3[%get3A, %get3A_0] : memref<2048x64xf32, #tpu.memory_space<vmem>>, vector<2048x64xf32>
    %get3A_2 = arith.constant 0 : index
    %get3A_3 = arith.constant 0 : index
    %get3A_4 = vector.load %arg1[%get3A_2, %get3A_3] : memref<2048x32xf32, #tpu.memory_space<vmem>>, vector<2048x32xf32>
    %get3A_5 = arith.constant 0 : index
    %get3A_6 = arith.constant 0 : index
    %get3A_7 = vector.load %arg4[%get3A_5, %get3A_6] : memref<32x64xf32, #tpu.memory_space<vmem>>, vector<32x64xf32>
    %dot_general3A = arith.constant dense<0.000000e+00> : vector<2048x64xf32>
    %dot_general3A_8 = tpu.matmul %get3A_4, %get3A_7, %dot_general3A {dimension_numbers = #tpu.dot_dimension_numbers<[1], [0], [0], [1], [0, 0, 1, 1], [], []>, transpose_lhs_hint = false} : vector<2048x32xf32>, vector<32x64xf32>, vector<2048x64xf32> -> vector<2048x64xf32>
    %add3A = arith.addf %get3A_1, %dot_general3A_8 : vector<2048x64xf32>
    %get3A_9 = arith.constant 0 : index
    %get3A_10 = arith.constant 0 : index
    %get3A_11 = vector.load %arg2[%get3A_9, %get3A_10] : memref<2048x32xf32, #tpu.memory_space<vmem>>, vector<2048x32xf32>
    %get3A_12 = arith.constant 0 : index
    %get3A_13 = arith.constant 0 : index
    %get3A_14 = vector.load %arg5[%get3A_12, %get3A_13] : memref<32x64xf32, #tpu.memory_space<vmem>>, vector<32x64xf32>
    %dot_general3A_15 = arith.constant dense<0.000000e+00> : vector<2048x64xf32>
    %dot_general3A_16 = tpu.matmul %get3A_11, %get3A_14, %dot_general3A_15 {dimension_numbers = #tpu.dot_dimension_numbers<[1], [0], [0], [1], [0, 0, 1, 1], [], []>, transpose_lhs_hint = false} : vector<2048x32xf32>, vector<32x64xf32>, vector<2048x64xf32> -> vector<2048x64xf32>
    %add3A_17 = arith.addf %add3A, %dot_general3A_16 : vector<2048x64xf32>
    %max3A = arith.constant 0.000000e+00 : f32
    %max3A_18 = vector.broadcast %max3A : f32 to vector<2048x64xf32>
    %max3A_19 = arith.maximumf %add3A_17, %max3A_18 : vector<2048x64xf32>
    %get3A_20 = arith.constant 0 : index
    %get3A_21 = arith.constant 0 : index
    %get3A_22 = vector.load %arg6[%get3A_20, %get3A_21] : memref<64x32xf32, #tpu.memory_space<vmem>>, vector<64x32xf32>
    %dot_general3A_23 = arith.constant dense<0.000000e+00> : vector<2048x32xf32>
    %dot_general3A_24 = tpu.matmul %max3A_19, %get3A_22, %dot_general3A_23 {dimension_numbers = #tpu.dot_dimension_numbers<[1], [0], [0], [1], [0, 0, 1, 1], [], []>, transpose_lhs_hint = false} : vector<2048x64xf32>, vector<64x32xf32>, vector<2048x32xf32> -> vector<2048x32xf32>
    %get3A_25 = arith.constant 0 : index
    %get3A_26 = arith.constant 0 : index
    %get3A_27 = vector.load %arg7[%get3A_25, %get3A_26] : memref<1x32xf32, #tpu.memory_space<vmem>>, vector<1x32xf32>
    %add3A_28 = vector.broadcast %get3A_27 : vector<1x32xf32> to vector<2048x32xf32>
    %add3A_29 = arith.addf %dot_general3A_24, %add3A_28 : vector<2048x32xf32>
    %max3A_30 = arith.constant 0.000000e+00 : f32
    %max3A_31 = vector.broadcast %max3A_30 : f32 to vector<2048x32xf32>
    %max3A_32 = arith.maximumf %add3A_29, %max3A_31 : vector<2048x32xf32>
    %get3A_33 = arith.constant 0 : index
    %get3A_34 = arith.constant 0 : index
    %get3A_35 = vector.load %arg8[%get3A_33, %get3A_34] : memref<32x1xf32, #tpu.memory_space<vmem>>, vector<32x1xf32>
    %dot_general3A_36 = arith.constant dense<0.000000e+00> : vector<2048x1xf32>
    %dot_general3A_37 = tpu.matmul %max3A_32, %get3A_35, %dot_general3A_36 {dimension_numbers = #tpu.dot_dimension_numbers<[1], [0], [0], [1], [0, 0, 1, 1], [], []>, transpose_lhs_hint = false} : vector<2048x32xf32>, vector<32x1xf32>, vector<2048x1xf32> -> vector<2048x1xf32>
    %get3A_38 = arith.constant 0 : index
    %get3A_39 = arith.constant 0 : index
    %get3A_40 = vector.load %arg9[%get3A_38, %get3A_39] : memref<1x1xf32, #tpu.memory_space<vmem>>, vector<1x1xf32>
    %add3A_41 = vector.broadcast %get3A_40 : vector<1x1xf32> to vector<2048x1xf32>
    %add3A_42 = arith.addf %dot_general3A_37, %add3A_41 : vector<2048x1xf32>
    %neg3A = arith.constant 0.000000e+00 : f32
    %neg3A_43 = vector.broadcast %neg3A : f32 to vector<2048x1xf32>
    %neg3A_44 = arith.subf %neg3A_43, %add3A_42 : vector<2048x1xf32>
    %exp3A = math.exp %neg3A_44 : vector<2048x1xf32>
    %add3A_45 = arith.constant 1.000000e+00 : f32
    %add3A_46 = vector.broadcast %add3A_45 : f32 to vector<2048x1xf32>
    %add3A_47 = arith.addf %add3A_46, %exp3A : vector<2048x1xf32>
    %div3A = arith.constant 1.000000e+00 : f32
    %div3A_48 = vector.broadcast %div3A : f32 to vector<2048x1xf32>
    %div3A_49 = arith.divf %div3A_48, %add3A_47 : vector<2048x1xf32>
    %swap3A = arith.constant 0 : index
    %swap3A_50 = arith.constant 0 : index
    %swap3A_51 = vector.load %arg10[%swap3A, %swap3A_50] : memref<2048x1xf32, #tpu.memory_space<vmem>>, vector<2048x1xf32>
    tpu.vector_store %arg10[%swap3A, %swap3A_50], %div3A_49 {strides = array<i32>} : memref<2048x1xf32, #tpu.memory_space<vmem>>, vector<2048x1xf32>,
    return
  }
  func.func @transform_0(%arg0: i32) -> (i32, i32) {
    %c0_i32 = arith.constant 0 : i32
    %c0_i32_0 = arith.constant 0 : i32
    return %arg0, %c0_i32 : i32, i32
  }
  func.func @transform_1(%arg0: i32) -> (i32, i32) {
    %c0_i32 = arith.constant 0 : i32
    %c0_i32_0 = arith.constant 0 : i32
    return %arg0, %c0_i32 : i32, i32
  }
  func.func @transform_2(%arg0: i32) -> (i32, i32) {
    %c0_i32 = arith.constant 0 : i32
    %c0_i32_0 = arith.constant 0 : i32
    return %arg0, %c0_i32 : i32, i32
  }
  func.func @transform_3(%arg0: i32) -> (i32, i32) {
    %c0_i32 = arith.constant 0 : i32
    %c0_i32_0 = arith.constant 0 : i32
    %c0_i32_1 = arith.constant 0 : i32
    return %c0_i32, %c0_i32_0 : i32, i32
  }
  func.func @transform_4(%arg0: i32) -> (i32, i32) {
    %c0_i32 = arith.constant 0 : i32
    %c0_i32_0 = arith.constant 0 : i32
    %c0_i32_1 = arith.constant 0 : i32
    return %c0_i32, %c0_i32_0 : i32, i32
  }
  func.func @transform_5(%arg0: i32) -> (i32, i32) {
    %c0_i32 = arith.constant 0 : i32
    %c0_i32_0 = arith.constant 0 : i32
    %c0_i32_1 = arith.constant 0 : i32
    return %c0_i32, %c0_i32_0 : i32, i32
  }
  func.func @transform_6(%arg0: i32) -> (i32, i32) {
    %c0_i32 = arith.constant 0 : i32
    %c0_i32_0 = arith.constant 0 : i32
    %c0_i32_1 = arith.constant 0 : i32
    return %c0_i32, %c0_i32_0 : i32, i32
  }
  func.func @transform_7(%arg0: i32) -> (i32, i32) {
    %c0_i32 = arith.constant 0 : i32
    %c0_i32_0 = arith.constant 0 : i32
    %c0_i32_1 = arith.constant 0 : i32
    return %c0_i32, %c0_i32_0 : i32, i32
  }
  func.func @transform_8(%arg0: i32) -> (i32, i32) {
    %c0_i32 = arith.constant 0 : i32
    %c0_i32_0 = arith.constant 0 : i32
    %c0_i32_1 = arith.constant 0 : i32
    return %c0_i32, %c0_i32_0 : i32, i32
  }
  func.func @transform_9(%arg0: i32) -> (i32, i32) {
    %c0_i32 = arith.constant 0 : i32
    %c0_i32_0 = arith.constant 0 : i32
    return %arg0, %c0_i32 : i32, i32
  }
}

</mosaic_0001>

<sc_bundles>
// kernel: ncf_sc_gather.3.cloned.1.call-start
scs
__scs_entry_jumppad:
0x0: {  	(pc) =	sbr.rel $0x88, $3  }
0x1: {  	(tag) =	ssettag $0x0;
	lr =	simm.s32 $0x1  }
0x2: {  	[smem:$0x3F8F] =	sst lr;
	_ =	strace $0xD0000000  }
0x3: {  	_ = 	snop  }
0x4: {  	_ = 	snop  }
0x5: {  	_ = 	snop  }
0x6: {  	_ = 	snop  }
0x7: {  	_ = 	snop  }
__scs_overlays_trampoline_lowered:
0x8: {  	[smem:$0x3F9E] =	sst s0  }
0x9: {  	[smem:$0x3F9F] =	sst s1  }
0xa: {  	[smem:$0x3FA0] =	sst s2  }
0xb: {  	[smem:$0x3FA1] =	sst s3  }
0xc: {  	[smem:$0x3FA2] =	sst s4  }
0xd: {  	[smem:$0x3FA3] =	sst s5  }
0xe: {  	[smem:$0x3FA4] =	sst s6  }
0xf: {  	[smem:$0x3FA5] =	sst s7  }
0x10: {  	[smem:$0x3FA6] =	sst s8  }
0x11: {  	[smem:$0x3FA7] =	sst s9;
	s0 =	simm.s32 @!p0 $0x0  }
0x12: {  	s1 =	sld [smem:$0x3F8D];
	s0 =	simm.s32 @p0 $0x1  }
0x13: {  	[smem:$0x3FA8] =	sst s0;
	s0 =	simm.s32 @!p1 $0x0  }
0x14: {  	s2 =	sld [smem:$0x3F8C];
	s0 =	simm.s32 @p1 $0x1  }
0x15: {  	[smem:$0x3FA9] =	sst s0;
	s0 =	simm.s32 @!p2 $0x0  }
0x16: {  	s3 =	sld [smem:$0x3FDB];
	s0 =	simm.s32 @p2 $0x1  }
0x17: {  	s4 =	simm.s32 $0x1BF5;
	[smem:$0x3FAB] =	sst s0  }
0x18: {  	s0 =	sld [smem:$0x3F8E];
	_ =	swait.ge [sflag:s4], $0x0  }
0x19: {  	s7 =	sld [smem:$0x3F8F]  }
0x1a: {  	s8 =	sadd.s32 $0xFFFFE003, lr  }
0x1b: {  	s9 =	sadd.s32 $0xFFFFFEF7, lr;
	s5 =	simm.s32 $0xFFFFFFFF;
	p2 =	slt.u32 s8, $0xFFFFF086  }
0x1c: {  	p1 =	slt.u32 s9, $0xF7A;
	s5 =	simm.s32 @!p2 $0x0  }
0x1d: {  	s5 =	simm.s32 @p1 $0x1;
	p0 =	seq.s32 s7, s2  }
0x1e: {  	s7 =	smul.u32 @!p0 $0xF7A, s2;
	p2 =	seq.s32 @!p0 s5, $0x0  }
0x1f: {  	s9 =	smul.u32 $0xF7A, s1;
	s8 =	simm.s32 @!p0 $0x1BF5;
	p2 =	por !p2, p0  }
0x20: {  	[sflag:s8] =	ssyncset.s32 @!p0 $0xFFFFF086;
	s6 =	sadd.s32 @!p0 s3, s7;
	s7 =	simm.s32 @!p0 $0x108  }
0x21: {  	s3 =	sadd.s32 s3, s9;
	s6 =	sadd.s32 @!p0 $0x88, s6;
	s7 =	simm.s32 @p2 $0x1082  }
0x22: {  	[simem:s7], [sflag:s8] =	dma.local @!p0 [hbm:s6], $0xF7A  }
0x23: {  	s9 =	sor.u32 $0xD0000000, s2;
	s6 =	simm.s32 $0x108;
	_ =	swait.ge @!p0 [sflag:s8], $0x0  }
0x24: {  	s3 =	sadd.s32 $0x88, s3;
	s6 =	simm.s32 @!p1 $0x1082;
	[sflag:s4] =	ssyncset.s32 $0xFFFFF086  }
0x25: {  	[simem:s6], [sflag:s4] =	dma.local [hbm:s3], $0xF7A  }
0x26: {  	[smem:$0x3F8F] =	sst s1;
	(tag) =	ssettag s2;
	_ =	strace s9  }
0x27: {  	s1 =	sld [smem:$0x3F9F]  }
0x28: {  	s2 =	sld [smem:$0x3FA0]  }
0x29: {  	s4 =	sld [smem:$0x3FA2]  }
0x2a: {  	p0 =	seq.s32 s5, $0x0;
	s5 =	sld [smem:$0x3FA3]  }
0x2b: {  	s6 =	sld [smem:$0x3FA4]  }
0x2c: {  	s7 =	sld [smem:$0x3FA5]  }
0x2d: {  	s3 =	simm.s32 $0x108;
	s8 =	sld [smem:$0x3FA6]  }
0x2e: {  	s3 =	simm.s32 @!p0 $0x1082;
	s9 =	sld [smem:$0x3FA7]  }
0x2f: {  	lr =	sadd.s32 s0, s3;
	s0 =	sld [smem:$0x3F9E]  }
0x30: {  	s3 =	sld [smem:$0x3FA1]  }
0x31: {  	[smem:$0x3FAA] =	sst s10  }
0x32: {  	s10 =	sld [smem:$0x3FA8];
	_ =	sdelay $0x3  }
0x33: {  	p0 =	seq.s32 s10, $0x1;
	s10 =	sld [smem:$0x3FAA];
	_ =	sdelay $0x3  }
0x34: {  	[smem:$0x3FAA] =	sst s10  }
0x35: {  	s10 =	sld [smem:$0x3FA9];
	_ =	sdelay $0x3  }
0x36: {  	p1 =	seq.s32 s10, $0x1;
	s10 =	sld [smem:$0x3FAA];
	_ =	sdelay $0x3  }
0x37: {  	[smem:$0x3FAA] =	sst s10  }
0x38: {  	s10 =	sld [smem:$0x3FAB]  }
0x39: {  	_ = 	snop;
	(pc) =	sbr.ind lr, $3  }
0x3a: {  	_ = 	snop  }
0x3b: {  	_ = 	snop  }
0x3c: {  	p2 =	seq.s32 s10, $0x1;
	s10 =	sld [smem:$0x3FAA]  }
0x3d: {  	_ =	shalt  }
0x3e: {  	_ =	shalt  }
0x3f: {  	_ =	shalt  }
0x40: {  	_ =	shalt  }
0x41: {  	_ =	shalt  }
0x42: {  	_ =	shalt  }
0x43: {  	_ =	shalt  }
0x44: {  	_ =	shalt  }
0x45: {  	_ =	shalt  }
0x46: {  	_ =	shalt  }
0x47: {  	_ =	shalt  }
0x48: {  	_ =	shalt  }
0x49: {  	_ =	shalt  }
0x4a: {  	_ =	shalt  }
0x4b: {  	_ =	shalt  }
0x4c: {  	_ =	shalt  }
0x4d: {  	_ =	shalt  }
0x4e: {  	_ =	shalt  }
0x4f: {  	_ =	shalt  }
0x50: {  	_ =	shalt  }
0x51: {  	_ =	shalt  }
0x52: {  	_ =	shalt  }
0x53: {  	_ =	shalt  }
0x54: {  	_ =	shalt  }
0x55: {  	_ =	shalt  }
0x56: {  	_ =	shalt  }
0x57: {  	_ =	shalt  }
0x58: {  	_ =	shalt  }
0x59: {  	_ =	shalt  }
0x5a: {  	_ =	shalt  }
0x5b: {  	_ =	shalt  }
0x5c: {  	_ =	shalt  }
0x5d: {  	_ =	shalt  }
0x5e: {  	_ =	shalt  }
0x5f: {  	_ =	shalt  }
0x60: {  	_ =	shalt  }
0x61: {  	_ =	shalt  }
0x62: {  	_ =	shalt  }
0x63: {  	_ =	shalt  }
0x64: {  	_ =	shalt  }
0x65: {  	_ =	shalt  }
0x66: {  	_ =	shalt  }
0x67: {  	_ =	shalt  }
0x68: {  	_ =	shalt  }
0x69: {  	_ =	shalt  }
0x6a: {  	_ =	shalt  }
0x6b: {  	_ =	shalt  }
0x6c: {  	_ =	shalt  }
0x6d: {  	_ =	shalt  }
0x6e: {  	_ =	shalt  }
0x6f: {  	_ =	shalt  }
0x70: {  	_ =	shalt  }
0x71: {  	_ =	shalt  }
0x72: {  	_ =	shalt  }
0x73: {  	_ =	shalt  }
0x74: {  	_ =	shalt  }
0x75: {  	_ =	shalt  }
0x76: {  	_ =	shalt  }
0x77: {  	_ =	shalt  }
0x78: {  	_ =	shalt  }
0x79: {  	_ =	shalt  }
0x7a: {  	_ =	shalt  }
0x7b: {  	_ =	shalt  }
0x7c: {  	_ =	shalt  }
0x7d: {  	_ =	shalt  }
0x7e: {  	_ =	shalt  }
0x7f: {  	_ =	shalt  }
0x80: {  	_ =	shalt  }
0x81: {  	_ =	shalt  }
0x82: {  	_ =	shalt  }
0x83: {  	_ =	shalt  }
0x84: {  	_ =	shalt  }
0x85: {  	_ =	shalt  }
0x86: {  	_ =	shalt  }
0x87: {  	_ =	shalt  }
.Lfunc_end0:
.L_simem_size_0:
called_computation_lowered:
.L_overlay_start_0:
0x88: {  	s2 =	sld [smem:$0x3FD9]  }
0x89: {  	s3 =	sld [smem:$0x3FFE];
	_ =	sdelay $0x1  }
0x8a: {  	s1 =	srdreg.scid  }
0x8b: {  	s0 =	sand.u32 $0x1, s1  }
0x8c: {  	s17 =	sshll.u32 s0, $0xA;
	s2 =	sadd.s32 s3, s2  }
0x8d: {  	s2 =	sadd.s32 s2, s17  }
0x8e: {  	[smem:$0x3FB6] =	sst s2  }
0x8f: {  	_ = 	snop  }
0x90: {  	s2 =	sld [smem:$0x3FC9]  }
0x91: {  	s18 =	sld [smem:$0x3FC8];
	(tm) =	ssettm $0x1  }
0x92: {  	s4 =	sld [smem:$0x3FFB];
	_ =	sdelay $0x3  }
0x93: {  	_ =	strace s4  }
0x94: {  	s4 =	sld [smem:$0x3FFC];
	_ =	sdelay $0x3  }
0x95: {  	_ =	strace s4  }
0x96: {  	s4 =	sld [smem:$0x3FFD];
	_ =	sdelay $0x3  }
0x97: {  	_ =	strace s4  }
0x98: {  	_ =	strace $0x8FFFFFFF  }
0x99: {  	s19 =	sld [smem:$0x3FDB];
	_ =	sdelay $0x1  }
0x9a: {  	s5 =	simm.s32 $_scs_section_size  }
0x9b: {  	s6 =	simm.s32 $_size__tile_overlayer_lowered;
	s7 =	simm.s32 $_tile_overlayer_lowered  }
0x9c: {  	s22 =	simm.s32 $0x1BFF;
	s21 =	sshll.u32 s7, $0x1;
	s4 =	sadd.s32 s5, s19  }
0x9d: {  	s8 =	simm.s32 $0x0;
	s20 =	sshll.u32 s6, $0x1;
	s6 =	sadd.s32 s21, s4  }
0x9e: {  	[timem:s8], [sflag:s22] =	dma.local [hbm:s6], s20  }
0x9f: {  	_ =	swait.ge [sflag:s22], s20  }
0xa0: {  	s5 =	ssub.s32 $0x0, s20;
	[sflag:s22] =	ssyncset.done $0x0  }
0xa1: {  	[sflag:s22] =	ssyncadd.s32 s5;
	_ =	sdelay $0x1  }
0xa2: {  	s23 =	simm.s32 $0x1B8B  }
0xa3: {  	_ =	swait.ge [sflag:s23], $0x1  }
0xa4: {  	[sflag:s23] =	ssyncset.done $0x0  }
0xa5: {  	s25 =	simm.s32 $0x1B8E;
	s24 =	sld [smem:$0x3FFE];
	[sflag:s23] =	ssyncadd.s32 $0xFFFFFFFF  }
0xa6: {  	s26 =	simm.s32 $execute0_lowered;
	[smem:$0x3FD2] =	sst s25  }
0xa7: {  	s6 =	sshll.u32 s26, $0x1;
	_ =	strace $0x80000046;
	[dreg:$0x1] =	wrdreg $0xFFFFFFFF  }
0xa8: {  	s28 =	simm.s32 $_size_execute0_lowered;
	s4 =	sadd.s32 s4, s6;
	[dreg:$0x0] =	wrdreg $0x0  }
0xa9: {  	s6 =	sshll.u32 s28, $0x1;
	[dreg:$0x2] =	wrdreg s4  }
0xaa: {  	[dreg:$0x3] =	wrdreg s6  }
0xab: {  	[dreg:$0x4] =	wrdreg $0xC0  }
0xac: {  	_ =	task [dreg:s8], $0x5FFFF  }
0xad: {  	[dreg:$0x1] =	wrdreg $0xFFFFFFFF  }
0xae: {  	[dreg:$0x0] =	wrdreg $0x60  }
0xaf: {  	[dreg:$0x2] =	wrdreg s2  }
0xb0: {  	[dreg:$0x3] =	wrdreg s18  }
0xb1: {  	[dreg:$0x4] =	wrdreg s24  }
0xb2: {  	[dreg:$0x5] =	wrdreg $0x9  }
0xb3: {  	_ =	task.clear_ibuf [dreg:s8], $0x6FFFF;
	_ =	strace $0x90000046  }
0xb4: {  	s29 =	simm.s32 $0x9;
	_ =	strace $0x80000048  }
0xb5: {  	_ =	swait.ge [sflag:s29], $0x1  }
0xb6: {  	[sflag:s29] =	ssyncadd.s32 $0xFFFFFFFF  }
0xb7: {  	_ =	strace $0x90000048  }
0xb8: {  	_ =	sfence  }
0xb9: {  	s30 =	sld [smem:$0x0];
	_ =	sdelay $0x2  }
0xba: {  	s31 =	sshll.u32 s1, $0xD;
	s1 =	sshrl.u32 s1, $0x2  }
0xbb: {  	s3 =	sand.u32 $0x4000, s31;
	s1 =	sadd.s32 s1, s30  }
0xbc: {  	s0 =	sor.u32 s3, s0;
	s1 =	sshll.u32 s1, $0x11  }
0xbd: {  	s0 =	sor.u32 s1, s0  }
0xbe: {  	s0 =	sadd.s32 $0x8F2B, s0  }
0xbf: {  	[sflag:s0] =	ssyncadd.remote.s32 $0x1  }
0xc0: {  	_ =	sfence.sel $0xFFFF  }
0xc1: {  	[dreg:$0x0] =	wrdreg $0xFFFFFFFF;
	(pc) =	sbr.abs _section_cstart, $3  }
0xc2: {  	[dreg:$0x1] =	wrdreg $0xFFFFFFFF  }
0xc3: {  	_ =	task.clear_ibuf [dreg:s8], $0x2FFFF;
	_ =	strace $0x9FFFFFFF  }
0xc4: {  	(tm) =	ssettm $0x7FFFFFFF  }
0xc5: {  	_ =	shalt  }
tec
execute0_lowered:
.L_overlay_start_1:
0x0: {  	(tag) =	ssettag $0x1  }
0x1: {  	s3 =	rddreg [dreg:$0x0];
	s1 =	srdreg.scid  }
0x2: {  	s5 =	rddreg [dreg:$0x1];
	s0 =	stileid.u32;
	s13 =	sand.u32 $0x1, s1  }
0x3: {  	s12 =	rddreg [dreg:$0x2];
	s6 =	sshll.u32 s0, $0x9;
	s4 =	sshll.u32 s13, $0xD  }
0x4: {  	s2 =	simm.s32 $0x0;
	s1 =	rddreg [dreg:$0x3];
	s14 =	sor.u32 s6, s4  }
0x5: {  	[smem:$0x7FF] =	sst s2;
	s6 =	sshrl.u32 s14, $0x3  }
0x6: {  	_ =	strace $0x80000047;
	s4 =	sadd.s32 s3, s6;
	s3 =	simm.s32 $0x3  }
0x7: {  	[tilespmem:s2], [sflag:$0x3] =	stream.linear.gather [hbm4b:s4+s2], $0x200, $0x38;
	[tilespmem:$0x8400] =	vst v63  }
0x8: {  	_ =	swait.ge [sflag:s3], $0x200  }
0x9: {  	[sflag:s3] =	ssyncset.done $0x0  }
0xa: {  	s5 =	sadd.s32 s5, s6;
	s6 =	simm.s32 $0x200;
	[sflag:s3] =	ssyncadd.s32 $0xFFFFFE00  }
0xb: {  	[tilespmem:s6], [sflag:$0x3] =	stream.linear.gather [hbm4b:s5+s2], $0x200, $0x38;
	[tilespmem:$0x8400] =	vst v63  }
0xc: {  	_ =	swait.ge [sflag:s3], $0x200  }
0xd: {  	[sflag:s3] =	ssyncset.done $0x0  }
0xe: {  	s8 =	simm.s32 $0x400;
	s7 =	sadd.s32 $0xF44C00, s12;
	[sflag:s3] =	ssyncadd.s32 $0xFFFFFE00  }
0xf: {  	[tilespmem:s8], [sflag:$0x1] =	stream.indirect.gather [hbm4b:s7+s6], $0x20, s2, s6, $0xb8;
	[tilespmem:$0x8400] =	vst v63  }
0x10: {  	s10 =	simm.s32 $0x4400;
	s11 =	simm.s32 $0x1;
	s9 =	sadd.s32 $0x1315600, s12  }
0x11: {  	[tilespmem:s10], [sflag:$0x2] =	stream.indirect.gather [hbm4b:s9+s6], $0x20, s6, s6, $0xb8;
	[tilespmem:$0x8400] =	vst v63  }
0x12: {  	s14 =	sshll.u32 s14, $0x2;
	_ =	swait.ge [sflag:s11], $0x4000  }
0x13: {  	s14 =	sadd.s32 s14, s12;
	[sflag:s11] =	ssyncset.done $0x0  }
0x14: {  	s15 =	ssub.s32 $0x2, s13;
	s12 =	sadd.s32 $0x2800, s14;
	[sflag:s11] =	ssyncadd.s32 $0xFFFFC000  }
0x15: {  	[hbm4b:s12+s2] =	stream.linear.scatter [tilespmem:s8], [sflag:$0x3], $0x4000, $0x38;
	[tilespmem:$0x8400] =	vst v63  }
0x16: {  	s16 =	sshrl.u32 s15, $0x1;
	_ =	swait.ge [sflag:s3], $0x4000  }
0x17: {  	s15 =	ssub.s32 s15, s16;
	[sflag:s3] =	ssyncset.done $0x0  }
0x18: {  	s13 =	simm.s32 $0x2;
	s15 =	smax.u32 s15, $0x1;
	[sflag:s3] =	ssyncadd.s32 $0xFFFFC000  }
0x19: {  	p0 =	sne.s32 s15, $0x1;
	_ =	swait.ge [sflag:s13], $0x4000  }
.Ltmp0:
0x1a: {  	[sflag:s13] =	ssyncset.done $0x0;
	(pc) =	sbr.rel @!p0 .LBB2_2-.Ltmp0, $4  }
0x1b: {  	s14 =	sadd.s32 $0x12800, s14;
	[sflag:s13] =	ssyncadd.s32 $0xFFFFC000  }
0x1c: {  	[hbm4b:s14+s2] =	stream.linear.scatter [tilespmem:s10], [sflag:$0x3], $0x4000, $0x38;
	[tilespmem:$0x8400] =	vst v63  }
0x1d: {  	_ =	swait.ge [sflag:s3], $0x4000  }
0x1e: {  	s15 =	sadd.s32 $0xFFFFFFFF, s15;
	[sflag:s3] =	ssyncset.done $0x0  }
.LBB2_1:
0x1f: {  	p0 =	sne.s32 s15, $0x1;
	s15 =	sadd.s32 $0xFFFFFFFF, s15;
	[sflag:s3] =	ssyncadd.s32 $0xFFFFC000  }
0x20: {  	[tilespmem:s2], [sflag:$0x3] =	stream.linear.gather [hbm4b:s4+s2], $0x200, $0x38;
	[tilespmem:$0x8400] =	vst v63  }
0x21: {  	_ =	swait.ge [sflag:s3], $0x200  }
0x22: {  	[sflag:s3] =	ssyncset.done $0x0  }
0x23: {  	[sflag:s3] =	ssyncadd.s32 $0xFFFFFE00  }
0x24: {  	[tilespmem:s6], [sflag:$0x3] =	stream.linear.gather [hbm4b:s5+s2], $0x200, $0x38;
	[tilespmem:$0x8400] =	vst v63  }
0x25: {  	_ =	swait.ge [sflag:s3], $0x200  }
0x26: {  	[sflag:s3] =	ssyncset.done $0x0  }
0x27: {  	[sflag:s3] =	ssyncadd.s32 $0xFFFFFE00  }
0x28: {  	[tilespmem:s8], [sflag:$0x1] =	stream.indirect.gather [hbm4b:s7+s6], $0x20, s2, s6, $0xb8;
	[tilespmem:$0x8400] =	vst v63  }
0x29: {  	_ = 	snop  }
0x2a: {  	[tilespmem:s10], [sflag:$0x2] =	stream.indirect.gather [hbm4b:s9+s6], $0x20, s6, s6, $0xb8;
	[tilespmem:$0x8400] =	vst v63  }
0x2b: {  	_ =	swait.ge [sflag:s11], $0x4000  }
0x2c: {  	[sflag:s11] =	ssyncset.done $0x0  }
0x2d: {  	[sflag:s11] =	ssyncadd.s32 $0xFFFFC000  }
0x2e: {  	[hbm4b:s12+s2] =	stream.linear.scatter [tilespmem:s8], [sflag:$0x3], $0x4000, $0x38;
	[tilespmem:$0x8400] =	vst v63  }
0x2f: {  	_ =	swait.ge [sflag:s3], $0x4000  }
0x30: {  	[sflag:s3] =	ssyncset.done $0x0  }
0x31: {  	[sflag:s3] =	ssyncadd.s32 $0xFFFFC000  }
0x32: {  	_ =	swait.ge [sflag:s13], $0x4000  }
.Ltmp1:
0x33: {  	[sflag:s13] =	ssyncset.done $0x0;
	(pc) =	sbr.rel @p0 .LBB2_1-.Ltmp1, $4  }
0x34: {  	[sflag:s13] =	ssyncadd.s32 $0xFFFFC000  }
0x35: {  	[hbm4b:s14+s2] =	stream.linear.scatter [tilespmem:s10], [sflag:$0x3], $0x4000, $0x38;
	[tilespmem:$0x8400] =	vst v63  }
0x36: {  	_ =	swait.ge [sflag:s3], $0x4000  }
0x37: {  	[sflag:s3] =	ssyncset.done $0x0  }
.LBB2_2:
0x38: {  	[sflag:s3] =	ssyncadd.s32 $0xFFFFC000  }
0x39: {  	_ =	sfence.sel $0x180000  }
0x3a: {  	[bflag:$0x0] =	sbarrier.arrive $0xFFFF  }
0x3b: {  	p0 =	sne.s32 s0, $0x0;
	_ =	strace $0x90000047  }
0x3c: {  	s0 =	sadd.s32 @!p0 $0x100000, s1;
	[bflag:$0x2] =	sbarrier.arrive $0xFFFF  }
0x3d: {  	[sflag:s0] =	ssyncadd.tile.s32 @!p0 $0x1;
	_ =	shalt  }
.Lfunc_end2:
_tile_overlayer_lowered:
.L_overlay_start_2:
0x3e: {  	(tag) =	ssettag $0x2  }
0x3f: {  	s0 =	rddreg [dreg:$0x0];
	s2 =	stileid.u32  }
0x40: {  	s1 =	rddreg [dreg:$0x1];
	p0 =	sne.s32 s2, $0x0  }
0x41: {  	s3 =	rddreg [dreg:$0x2];
	[bflag:$0x3] =	sbarrier.arrive $0xFFFF;
	s2 =	simm.s32 @!p0 $0x1C03  }
0x42: {  	[timem:s3], [sflag:s2] =	dma.local @!p0 [hbm:s0], s1  }
0x43: {  	s0 =	simm.s32 @!p0 $0x3  }
0x44: {  	_ =	swait.ge @!p0 [sflag:s0], s1  }
0x45: {  	s1 =	ssub.s32 @!p0 $0x0, s1;
	[sflag:s0] =	ssyncset.done @!p0 $0x0  }
0x46: {  	[sflag:s0] =	ssyncadd.s32 @!p0 s1  }
0x47: {  	[bflag:$0x3] =	sbarrier.arrive $0xFFFF  }
0x48: {  	_ =	shalt  }

</sc_bundles>
